<compile_context>
chip_gen: v7x
topology: tpu7x:2x2x1
jax: 0.10.2.dev20260603
libtpu: 0.0.44.dev20260713+nightly
codegen_flags: <defaults>
</compile_context>

<pallas_src>
import functools

import jax
import jax.numpy as jnp
from jax import lax
from jax.experimental import pallas as pl
from jax.experimental.pallas import tpu as pltpu
from jax.experimental.pallas import tpu_sc as plsc

_B = 128
_V = 100000
_BR = 8
_NR = _B // _BR
_L = 16
_NGW = _B // _L


def _gather_t(net_flat, cid):
    mesh = plsc.VectorSubcoreMesh(core_axis_name="c", subcore_axis_name="s")

    @functools.partial(
        pl.kernel,
        mesh=mesh,
        out_type=jax.ShapeDtypeStruct((_B,), jnp.float32),
        scratch_types=[
            pltpu.VMEM((_L,), jnp.int32),
            pltpu.VMEM((_L,), jnp.float32),
            pltpu.SemaphoreType.DMA,
        ],
    )
    def sc_gather(net_hbm, cid_hbm, t_hbm, cid_v, val_v, sem):
        wid = lax.axis_index("s") * 2 + lax.axis_index("c")

        @pl.when(wid < _NGW)
        def _():
            base = wid * _L
            pltpu.sync_copy(cid_hbm.at[pl.ds(base, _L)], cid_v)
            row = lax.iota(jnp.int32, _L) + base
            flat = row * _V + cid_v[...]
            pltpu.async_copy(net_hbm.at[flat], val_v, sem).wait()
            pltpu.sync_copy(val_v, t_hbm.at[pl.ds(base, _L)])

    return sc_gather(net_flat, cid)


_BN = 12800
_NB = (_V + _BN - 1) // _BN


def _count_body(cid_ref, t_ref, x_ref, out_ref, iota_ref, cnt_ref):
    j = pl.program_id(0)

    @pl.when(j == 0)
    def _init():
        iota_ref[...] = lax.broadcasted_iota(jnp.int32, (_B, _BN), 1)
        cnt_ref[...] = jnp.zeros_like(cnt_ref)

    x = x_ref[...]
    t = t_ref[...]
    cid = cid_ref[...]
    iota = iota_ref[...]
    ltc = iota < cid - j * _BN
    valid = iota < _V - j * _BN
    ahead = ((x > t) & valid) | ((x == t) & ltc)
    cnt_ref[...] += jnp.sum(jnp.where(ahead, 1.0, 0.0), axis=1, keepdims=True)

    @pl.when(j == _NB - 1)
    def _final():
        cnt = cnt_ref[...]
        top1 = jnp.sum(jnp.where(cnt < 1.0, 1.0, 0.0))
        top5 = jnp.sum(jnp.where(cnt < 5.0, 1.0, 0.0))
        out_ref[0] = top1 * (100.0 / _B)
        out_ref[1] = top5 * (100.0 / _B)


def _count(net_out, cid2d, t2d):
    return pl.pallas_call(
        _count_body,
        grid=(_NB,),
        in_specs=[
            pl.BlockSpec((_B, 1), lambda j: (0, 0)),
            pl.BlockSpec((_B, 1), lambda j: (0, 0)),
            pl.BlockSpec((_B, _BN), lambda j: (0, j)),
        ],
        out_specs=pl.BlockSpec(memory_space=pltpu.SMEM),
        out_shape=jax.ShapeDtypeStruct((2,), jnp.float32),
        scratch_shapes=[
            pltpu.VMEM((_B, _BN), jnp.int32),
            pltpu.VMEM((_B, 1), jnp.float32),
        ],
    )(cid2d, t2d, net_out)


def kernel(cri_out, net_out, class_id):
    del cri_out
    cid = class_id.astype(jnp.int32)
    t = _gather_t(net_out.reshape(-1), cid)
    return _count(net_out, cid.reshape(_B, 1), t.reshape(_B, 1))

# --- scband reference (transcript-rebuilt; emitter-appended) ---
"""Pipeline reference for scband-accuracy-51384988729538 (READ-ONLY COPY).

The authoritative reference and input builder live on the scoring server;
editing this copy changes nothing except your own understanding.
"""

import jax, jax.numpy as jnp
import numpy as np

TOPK = [1, 5]


def setup_inputs(seed: int = 0) -> dict:
    key = jax.random.key(seed)
    k1, k2, k3 = jax.random.split(key, 3)
    cri_out = jax.random.normal(k1, (1,), dtype=jnp.float32)
    net_out = jax.random.normal(k2, (128, 100000), dtype=jnp.float32)
    class_id = jax.random.randint(k3, (128,), 0, 100000, dtype=jnp.int64 if jax.config.jax_enable_x64 else jnp.int32).astype(jnp.int32)
    return {"cri_out": cri_out, "net_out": net_out, "class_id": class_id}


def reference(cri_out, net_out, class_id):
    # Faithful translation of accuracy(output, target, topk=[1,5], ignore_index=None)
    maxk = max(TOPK)
    batch_size = class_id.shape[0]
    # output.topk(maxk, 1, True, True) -> values, indices sorted descending
    _, pred = jax.lax.top_k(net_out, maxk)  # [B, maxk]
    # pred.t(); correct = pred.eq(target.view(1,-1).expand_as(pred))
    # equivalent: compare each of the top-maxk predictions against the target per row
    correct = (pred == class_id[:, None])  # [B, maxk]
    res = []
    for k in TOPK:
        correct_k = jnp.sum(correct[:, :k].astype(jnp.float32))
        res.append(correct_k * (100.0 / batch_size))
    # out dict {'accuracy_top1': res[0], 'accuracy_top5': res[1]} -> stacked array
    return jnp.stack(res)

if __name__ == "__main__":
    import jax
    _d = setup_inputs()
    print(jax.jit(kernel)(*tuple(_d.values())))

</pallas_src>

<mosaic_0001>
#map = affine_map<(d0, d1) -> (0)>
module attributes {stable_mosaic.version = 14 : i64} {
  func.func @sc_gather(%arg0: i32, %arg1: i32, %arg2: memref<12800000xf32, #tpu.memory_space<hbm>>, %arg3: memref<128xi32, #tpu.memory_space<hbm>>, %arg4: memref<128xf32, #tpu.memory_space<hbm>>, %arg5: memref<16xi32, #tpu.memory_space<vmem>>, %arg6: memref<16xf32, #tpu.memory_space<vmem>>, %arg7: memref<!tpu.dma_semaphore, #tpu.memory_space<semaphore_mem>>) attributes {dimension_semantics = [#tpu.dimension_semantics<core_parallel>, #tpu.dimension_semantics<subcore_parallel>], iteration_bounds = array<i64: 2, 16>, scalar_prefetch = 0 : i64, scratch_operands = 3 : i64, tpu.core_type = #tpu.core_type<sc_vector_subcore>, window_params = [{transform_indices = #map}, {transform_indices = #map}, {transform_indices = #map}]} {
    %mul3A = arith.constant 2 : i32
    %mul3A_0 = arith.muli %arg1, %mul3A : i32
    %add3A = arith.addi %mul3A_0, %arg0 : i32
    %lt3A = arith.constant 8 : i32
    %lt3A_1 = arith.cmpi slt, %add3A, %lt3A : i32
    %convert_element_type3A = arith.extui %lt3A_1 : i1 to i32
    %cond3A = arith.constant 0 : i32
    %cond3A_2 = arith.cmpi ne, %convert_element_type3A, %cond3A : i32
    scf.if %cond3A_2 {
      %mul3A_3 = arith.constant 16 : i32
      %mul3A_4 = arith.muli %add3A, %mul3A_3 : i32
      "tpu.region"() ({
        %run_scoped3A = tpu.sem_alloc : memref<!tpu.dma_semaphore, #tpu.memory_space<semaphore_mem>>
        %dma_start3A_15 = tpu.memref_slice %arg3[%mul3A_4] : memref<128xi32, #tpu.memory_space<hbm>> -> memref<16xi32, #tpu.memory_space<hbm>>
        %dma_start3A_16 = tpu.memref_slice %arg3[%mul3A_4] : memref<128xi32, #tpu.memory_space<hbm>> -> memref<16xi32, #tpu.memory_space<hbm>>
        tpu.enqueue_dma source(%dma_start3A_16 : memref<16xi32, #tpu.memory_space<hbm>>) target(%arg5 : memref<16xi32, #tpu.memory_space<vmem>>) target_semaphore(%run_scoped3A : memref<!tpu.dma_semaphore, #tpu.memory_space<semaphore_mem>>)
        %dma_wait3A_17 = tpu.memref_slice %arg3[%mul3A_4] : memref<128xi32, #tpu.memory_space<hbm>> -> memref<16xi32, #tpu.memory_space<hbm>>
        %dma_wait3A_18 = tpu.memref_slice %arg3[%mul3A_4] : memref<128xi32, #tpu.memory_space<hbm>> -> memref<16xi32, #tpu.memory_space<hbm>>
        tpu.wait_dma2 semaphore(%run_scoped3A : memref<!tpu.dma_semaphore, #tpu.memory_space<semaphore_mem>>) src(%dma_wait3A_18 : memref<16xi32, #tpu.memory_space<hbm>>) dst(%arg5 : memref<16xi32, #tpu.memory_space<vmem>>)
        tpu.yield
      }) : () -> ()
      %iota3A = tpu.iota {dimensions = array<i32: 0>} : vector<16xi32>
      %add3A_5 = vector.broadcast %mul3A_4 : i32 to vector<16xi32>
      %add3A_6 = arith.addi %iota3A, %add3A_5 : vector<16xi32>
      %mul3A_7 = arith.constant 100000 : i32
      %mul3A_8 = vector.broadcast %mul3A_7 : i32 to vector<16xi32>
      %mul3A_9 = arith.muli %add3A_6, %mul3A_8 : vector<16xi32>
      %get3A = arith.constant 0 : index
      %get3A_10 = tpu.vector_load %arg5[%get3A] {strides = array<i32>} : memref<16xi32, #tpu.memory_space<vmem>>, vector<16xi32>,
      %get3A_11 = vector.shape_cast %get3A_10 : vector<16xi32> to vector<16xi32>
      %add3A_12 = arith.addi %mul3A_9, %get3A_11 : vector<16xi32>
      %dma_start3A = arith.constant 0 : i32
      %dma_start3A_13 = tpu.memref_slice %arg2[%dma_start3A] : memref<12800000xf32, #tpu.memory_space<hbm>> -> memref<12800000xf32, #tpu.memory_space<hbm>>
      tpu.enqueue_indirect_dma source(%dma_start3A_13 : memref<12800000xf32, #tpu.memory_space<hbm>>) target(%arg6 : memref<16xf32, #tpu.memory_space<vmem>>) offsets(%add3A_12 : vector<16xi32>) semaphore(%arg7 : memref<!tpu.dma_semaphore, #tpu.memory_space<semaphore_mem>>)
      %dma_wait3A = arith.constant 0 : i32
      %dma_wait3A_14 = tpu.memref_slice %arg2[%dma_wait3A] : memref<12800000xf32, #tpu.memory_space<hbm>> -> memref<12800000xf32, #tpu.memory_space<hbm>>
      tpu.wait_indirect_dma semaphore(%arg7 : memref<!tpu.dma_semaphore, #tpu.memory_space<semaphore_mem>>) src(%dma_wait3A_14 : memref<12800000xf32, #tpu.memory_space<hbm>>) dst(%arg6 : memref<16xf32, #tpu.memory_space<vmem>>)
      "tpu.region"() ({
        %run_scoped3A = tpu.sem_alloc : memref<!tpu.dma_semaphore, #tpu.memory_space<semaphore_mem>>
        %dma_start3A_15 = tpu.memref_slice %arg4[%mul3A_4] : memref<128xf32, #tpu.memory_space<hbm>> -> memref<16xf32, #tpu.memory_space<hbm>>
        %dma_start3A_16 = tpu.memref_slice %arg4[%mul3A_4] : memref<128xf32, #tpu.memory_space<hbm>> -> memref<16xf32, #tpu.memory_space<hbm>>
        tpu.enqueue_dma source(%arg6 : memref<16xf32, #tpu.memory_space<vmem>>) target(%dma_start3A_16 : memref<16xf32, #tpu.memory_space<hbm>>) target_semaphore(%run_scoped3A : memref<!tpu.dma_semaphore, #tpu.memory_space<semaphore_mem>>)
        %dma_wait3A_17 = tpu.memref_slice %arg4[%mul3A_4] : memref<128xf32, #tpu.memory_space<hbm>> -> memref<16xf32, #tpu.memory_space<hbm>>
        %dma_wait3A_18 = tpu.memref_slice %arg4[%mul3A_4] : memref<128xf32, #tpu.memory_space<hbm>> -> memref<16xf32, #tpu.memory_space<hbm>>
        tpu.wait_dma2 semaphore(%run_scoped3A : memref<!tpu.dma_semaphore, #tpu.memory_space<semaphore_mem>>) src(%arg6 : memref<16xf32, #tpu.memory_space<vmem>>) dst(%dma_wait3A_18 : memref<16xf32, #tpu.memory_space<hbm>>)
        tpu.yield
      }) : () -> ()
    } else {
    }
    return
  }
}

module attributes {stable_mosaic.version = 14 : i64} {
  func.func @_count_body(%arg0: i32, %arg1: memref<128x1xi32, #tpu.memory_space<vmem>>, %arg2: memref<128x1xf32, #tpu.memory_space<vmem>>, %arg3: memref<128x12800xf32, #tpu.memory_space<vmem>>, %arg4: memref<2xf32, #tpu.memory_space<smem>>, %arg5: memref<128x12800xi32, #tpu.memory_space<vmem>>, %arg6: memref<128x1xf32, #tpu.memory_space<vmem>>) attributes {dimension_semantics = [#tpu.dimension_semantics<arbitrary>], iteration_bounds = array<i64: 8>, scalar_prefetch = 0 : i64, scratch_operands = 2 : i64, tpu.core_type = #tpu.core_type<tc>, window_params = [{pipeline_mode = #tpu.pipeline_mode<synchronous>, transform_indices = @transform_0, window_bounds = array<i64: 128, 1>}, {pipeline_mode = #tpu.pipeline_mode<synchronous>, transform_indices = @transform_1, window_bounds = array<i64: 128, 1>}, {transform_indices = @transform_2, window_bounds = array<i64: 128, 12800>}, {transform_indices = @transform_3, window_bounds = array<i64: 2>}]} {
    %eq3A = arith.constant 0 : i32
    %eq3A_0 = arith.cmpi eq, %arg0, %eq3A : i32
    %convert_element_type3A = arith.extui %eq3A_0 : i1 to i32
    %cond3A = arith.constant 0 : i32
    %cond3A_1 = arith.cmpi ne, %convert_element_type3A, %cond3A : i32
    scf.if %cond3A_1 {
      %iota3A = tpu.iota {dimensions = array<i32: 1>} : vector<128x12800xi32>
      %swap3A_40 = arith.constant 0 : index
      %swap3A_41 = arith.constant 0 : index
      %swap3A_42 = vector.load %arg5[%swap3A_40, %swap3A_41] : memref<128x12800xi32, #tpu.memory_space<vmem>>, vector<128x12800xi32>
      tpu.vector_store %arg5[%swap3A_40, %swap3A_41], %iota3A {strides = array<i32>} : memref<128x12800xi32, #tpu.memory_space<vmem>>, vector<128x12800xi32>,
      %broadcast_in_dim3A_43 = arith.constant 0.000000e+00 : f32
      %broadcast_in_dim3A_44 = vector.broadcast %broadcast_in_dim3A_43 : f32 to vector<128x1xf32>
      %swap3A_45 = arith.constant 0 : index
      %swap3A_46 = arith.constant 0 : index
      %swap3A_47 = vector.load %arg6[%swap3A_45, %swap3A_46] : memref<128x1xf32, #tpu.memory_space<vmem>>, vector<128x1xf32>
      tpu.vector_store %arg6[%swap3A_45, %swap3A_46], %broadcast_in_dim3A_44 {strides = array<i32>} : memref<128x1xf32, #tpu.memory_space<vmem>>, vector<128x1xf32>,
    } else {
    }
    %get3A = arith.constant 0 : index
    %get3A_2 = arith.constant 0 : index
    %get3A_3 = vector.load %arg3[%get3A, %get3A_2] : memref<128x12800xf32, #tpu.memory_space<vmem>>, vector<128x12800xf32>
    %get3A_4 = arith.constant 0 : index
    %get3A_5 = arith.constant 0 : index
    %get3A_6 = vector.load %arg2[%get3A_4, %get3A_5] : memref<128x1xf32, #tpu.memory_space<vmem>>, vector<128x1xf32>
    %get3A_7 = arith.constant 0 : index
    %get3A_8 = arith.constant 0 : index
    %get3A_9 = vector.load %arg1[%get3A_7, %get3A_8] : memref<128x1xi32, #tpu.memory_space<vmem>>, vector<128x1xi32>
    %get3A_10 = arith.constant 0 : index
    %get3A_11 = arith.constant 0 : index
    %get3A_12 = vector.load %arg5[%get3A_10, %get3A_11] : memref<128x12800xi32, #tpu.memory_space<vmem>>, vector<128x12800xi32>
    %mul3A = arith.constant 12800 : i32
    %mul3A_13 = arith.muli %arg0, %mul3A : i32
    %sub3A = vector.broadcast %mul3A_13 : i32 to vector<128x1xi32>
    %sub3A_14 = arith.subi %get3A_9, %sub3A : vector<128x1xi32>
    %lt3A = vector.broadcast %sub3A_14 : vector<128x1xi32> to vector<128x12800xi32>
    %lt3A_15 = arith.cmpi slt, %get3A_12, %lt3A : vector<128x12800xi32>
    %mul3A_16 = arith.constant 12800 : i32
    %mul3A_17 = arith.muli %arg0, %mul3A_16 : i32
    %sub3A_18 = arith.constant 100000 : i32
    %sub3A_19 = arith.subi %sub3A_18, %mul3A_17 : i32
    %lt3A_20 = vector.broadcast %sub3A_19 : i32 to vector<128x12800xi32>
    %lt3A_21 = arith.cmpi slt, %get3A_12, %lt3A_20 : vector<128x12800xi32>
    %gt3A = vector.broadcast %get3A_6 : vector<128x1xf32> to vector<128x12800xf32>
    %gt3A_22 = arith.cmpf ogt, %get3A_3, %gt3A : vector<128x12800xf32>
    %and3A = arith.andi %gt3A_22, %lt3A_21 : vector<128x12800xi1>
    %eq3A_23 = vector.broadcast %get3A_6 : vector<128x1xf32> to vector<128x12800xf32>
    %eq3A_24 = arith.cmpf oeq, %get3A_3, %eq3A_23 : vector<128x12800xf32>
    %and3A_25 = arith.andi %eq3A_24, %lt3A_15 : vector<128x12800xi1>
    %or3A = arith.ori %and3A, %and3A_25 : vector<128x12800xi1>
    %get3A_26 = arith.constant 0 : index
    %get3A_27 = arith.constant 0 : index
    %get3A_28 = vector.load %arg6[%get3A_26, %get3A_27] : memref<128x1xf32, #tpu.memory_space<vmem>>, vector<128x1xf32>
    %jit3A = arith.constant 1.000000e+00 : f32
    %jit3A_29 = arith.constant 0.000000e+00 : f32
    %broadcast_in_dim3A = vector.broadcast %jit3A : f32 to vector<128x12800xf32>
    %broadcast_in_dim3A_30 = vector.broadcast %jit3A_29 : f32 to vector<128x12800xf32>
    %select_n3A = arith.select %or3A, %broadcast_in_dim3A, %broadcast_in_dim3A_30 : vector<128x12800xi1>, vector<128x12800xf32>
    %reduce_sum3A = arith.constant dense<0.000000e+00> : vector<128xf32>
    %reduce_sum3A_31 = vector.multi_reduction <add>, %select_n3A, %reduce_sum3A [1] : vector<128x12800xf32> to vector<128xf32>
    %broadcast_in_dim3A_32 = vector.shape_cast %reduce_sum3A_31 : vector<128xf32> to vector<128x1xf32>
    %add3A = arith.addf %get3A_28, %broadcast_in_dim3A_32 : vector<128x1xf32>
    %swap3A = arith.constant 0 : index
    %swap3A_33 = arith.constant 0 : index
    %swap3A_34 = vector.load %arg6[%swap3A, %swap3A_33] : memref<128x1xf32, #tpu.memory_space<vmem>>, vector<128x1xf32>
    tpu.vector_store %arg6[%swap3A, %swap3A_33], %add3A {strides = array<i32>} : memref<128x1xf32, #tpu.memory_space<vmem>>, vector<128x1xf32>,
    %eq3A_35 = arith.constant 7 : i32
    %eq3A_36 = arith.cmpi eq, %arg0, %eq3A_35 : i32
    %convert_element_type3A_37 = arith.extui %eq3A_36 : i1 to i32
    %cond3A_38 = arith.constant 0 : i32
    %cond3A_39 = arith.cmpi ne, %convert_element_type3A_37, %cond3A_38 : i32
    scf.if %cond3A_39 {
      %get3A_40 = arith.constant 0 : index
      %get3A_41 = arith.constant 0 : index
      %get3A_42 = vector.load %arg6[%get3A_40, %get3A_41] : memref<128x1xf32, #tpu.memory_space<vmem>>, vector<128x1xf32>
      %lt3A_43 = arith.constant 1.000000e+00 : f32
      %lt3A_44 = vector.broadcast %lt3A_43 : f32 to vector<128x1xf32>
      %lt3A_45 = arith.cmpf olt, %get3A_42, %lt3A_44 : vector<128x1xf32>
      %jit3A_46 = arith.constant 1.000000e+00 : f32
      %jit3A_47 = arith.constant 0.000000e+00 : f32
      %broadcast_in_dim3A_48 = vector.broadcast %jit3A_46 : f32 to vector<128x1xf32>
      %broadcast_in_dim3A_49 = vector.broadcast %jit3A_47 : f32 to vector<128x1xf32>
      %select_n3A_50 = arith.select %lt3A_45, %broadcast_in_dim3A_48, %broadcast_in_dim3A_49 : vector<128x1xi1>, vector<128x1xf32>
      %reduce_sum3A_51 = vector.shape_cast %select_n3A_50 : vector<128x1xf32> to vector<1x128x1xf32>
      %reduce_sum3A_52 = arith.constant dense<0.000000e+00> : vector<1xf32>
      %reduce_sum3A_53 = vector.multi_reduction <add>, %reduce_sum3A_51, %reduce_sum3A_52 [1, 2] : vector<1x128x1xf32> to vector<1xf32>
      %reduce_sum3A_54 = vector.shape_cast %reduce_sum3A_53 : vector<1xf32> to vector<1x1x1xf32>
      %reduce_sum3A_55 = vector.extract %reduce_sum3A_54[0, 0, 0] : f32 from vector<1x1x1xf32>
      %lt3A_56 = arith.constant 5.000000e+00 : f32
      %lt3A_57 = vector.broadcast %lt3A_56 : f32 to vector<128x1xf32>
      %lt3A_58 = arith.cmpf olt, %get3A_42, %lt3A_57 : vector<128x1xf32>
      %jit3A_59 = arith.constant 1.000000e+00 : f32
      %jit3A_60 = arith.constant 0.000000e+00 : f32
      %broadcast_in_dim3A_61 = vector.broadcast %jit3A_59 : f32 to vector<128x1xf32>
      %broadcast_in_dim3A_62 = vector.broadcast %jit3A_60 : f32 to vector<128x1xf32>
      %select_n3A_63 = arith.select %lt3A_58, %broadcast_in_dim3A_61, %broadcast_in_dim3A_62 : vector<128x1xi1>, vector<128x1xf32>
      %reduce_sum3A_64 = vector.shape_cast %select_n3A_63 : vector<128x1xf32> to vector<1x128x1xf32>
      %reduce_sum3A_65 = arith.constant dense<0.000000e+00> : vector<1xf32>
      %reduce_sum3A_66 = vector.multi_reduction <add>, %reduce_sum3A_64, %reduce_sum3A_65 [1, 2] : vector<1x128x1xf32> to vector<1xf32>
      %reduce_sum3A_67 = vector.shape_cast %reduce_sum3A_66 : vector<1xf32> to vector<1x1x1xf32>
      %reduce_sum3A_68 = vector.extract %reduce_sum3A_67[0, 0, 0] : f32 from vector<1x1x1xf32>
      %mul3A_69 = arith.constant 7.812500e-01 : f32
      %mul3A_70 = arith.mulf %reduce_sum3A_55, %mul3A_69 : f32
      %swap3A_71 = arith.constant 0 : index
      %swap3A_72 = memref.load %arg4[%swap3A_71] : memref<2xf32, #tpu.memory_space<smem>>
      memref.store %mul3A_70, %arg4[%swap3A_71] : memref<2xf32, #tpu.memory_space<smem>>
      %mul3A_73 = arith.constant 7.812500e-01 : f32
      %mul3A_74 = arith.mulf %reduce_sum3A_68, %mul3A_73 : f32
      %swap3A_75 = arith.constant 1 : index
      %swap3A_76 = memref.load %arg4[%swap3A_75] : memref<2xf32, #tpu.memory_space<smem>>
      memref.store %mul3A_74, %arg4[%swap3A_75] : memref<2xf32, #tpu.memory_space<smem>>
    } else {
    }
    return
  }
  func.func @transform_0(%arg0: i32) -> (i32, i32) {
    %c0_i32 = arith.constant 0 : i32
    %c0_i32_0 = arith.constant 0 : i32
    %c0_i32_1 = arith.constant 0 : i32
    return %c0_i32, %c0_i32_0 : i32, i32
  }
  func.func @transform_1(%arg0: i32) -> (i32, i32) {
    %c0_i32 = arith.constant 0 : i32
    %c0_i32_0 = arith.constant 0 : i32
    %c0_i32_1 = arith.constant 0 : i32
    return %c0_i32, %c0_i32_0 : i32, i32
  }
  func.func @transform_2(%arg0: i32) -> (i32, i32) {
    %c0_i32 = arith.constant 0 : i32
    %c0_i32_0 = arith.constant 0 : i32
    return %c0_i32, %arg0 : i32, i32
  }
  func.func @transform_3(%arg0: i32) -> i32 {
    %c0_i32 = arith.constant 0 : i32
    %c0_i32_0 = arith.constant 0 : i32
    return %c0_i32 : i32
  }
}

</mosaic_0001>

<sc_bundles>
// kernel: kernel.4.cloned.1.call-start
scs
__scs_entry_jumppad:
0x0: {  	(pc) =	sbr.rel $0x88, $3  }
0x1: {  	(tag) =	ssettag $0x0;
	lr =	simm.s32 $0x1  }
0x2: {  	[smem:$0x3F9F] =	sst lr;
	_ =	strace $0xD0000000  }
0x3: {  	_ = 	snop  }
0x4: {  	_ = 	snop  }
0x5: {  	_ = 	snop  }
0x6: {  	_ = 	snop  }
0x7: {  	_ = 	snop  }
__scs_overlays_trampoline_lowered:
0x8: {  	[smem:$0x3FAE] =	sst s0  }
0x9: {  	[smem:$0x3FAF] =	sst s1  }
0xa: {  	[smem:$0x3FB0] =	sst s2  }
0xb: {  	[smem:$0x3FB1] =	sst s3  }
0xc: {  	[smem:$0x3FB2] =	sst s4  }
0xd: {  	[smem:$0x3FB3] =	sst s5  }
0xe: {  	[smem:$0x3FB4] =	sst s6  }
0xf: {  	[smem:$0x3FB5] =	sst s7  }
0x10: {  	[smem:$0x3FB6] =	sst s8  }
0x11: {  	[smem:$0x3FB7] =	sst s9;
	s0 =	simm.s32 @!p0 $0x0  }
0x12: {  	s1 =	sld [smem:$0x3F9D];
	s0 =	simm.s32 @p0 $0x1  }
0x13: {  	[smem:$0x3FB8] =	sst s0;
	s0 =	simm.s32 @!p1 $0x0  }
0x14: {  	s2 =	sld [smem:$0x3F9C];
	s0 =	simm.s32 @p1 $0x1  }
0x15: {  	[smem:$0x3FB9] =	sst s0;
	s0 =	simm.s32 @!p2 $0x0  }
0x16: {  	s3 =	sld [smem:$0x3FDB];
	s0 =	simm.s32 @p2 $0x1  }
0x17: {  	s4 =	simm.s32 $0x1BF5;
	[smem:$0x3FBB] =	sst s0  }
0x18: {  	s0 =	sld [smem:$0x3F9E];
	_ =	swait.ge [sflag:s4], $0x0  }
0x19: {  	s7 =	sld [smem:$0x3F9F]  }
0x1a: {  	s8 =	sadd.s32 $0xFFFFE003, lr  }
0x1b: {  	s9 =	sadd.s32 $0xFFFFFEF7, lr;
	s5 =	simm.s32 $0xFFFFFFFF;
	p2 =	slt.u32 s8, $0xFFFFF086  }
0x1c: {  	p1 =	slt.u32 s9, $0xF7A;
	s5 =	simm.s32 @!p2 $0x0  }
0x1d: {  	s5 =	simm.s32 @p1 $0x1;
	p0 =	seq.s32 s7, s2  }
0x1e: {  	s7 =	smul.u32 @!p0 $0xF7A, s2;
	p2 =	seq.s32 @!p0 s5, $0x0  }
0x1f: {  	s9 =	smul.u32 $0xF7A, s1;
	s8 =	simm.s32 @!p0 $0x1BF5;
	p2 =	por !p2, p0  }
0x20: {  	[sflag:s8] =	ssyncset.s32 @!p0 $0xFFFFF086;
	s6 =	sadd.s32 @!p0 s3, s7;
	s7 =	simm.s32 @!p0 $0x108  }
0x21: {  	s3 =	sadd.s32 s3, s9;
	s6 =	sadd.s32 @!p0 $0x88, s6;
	s7 =	simm.s32 @p2 $0x1082  }
0x22: {  	[simem:s7], [sflag:s8] =	dma.local @!p0 [hbm:s6], $0xF7A  }
0x23: {  	s9 =	sor.u32 $0xD0000000, s2;
	s6 =	simm.s32 $0x108;
	_ =	swait.ge @!p0 [sflag:s8], $0x0  }
0x24: {  	s3 =	sadd.s32 $0x88, s3;
	s6 =	simm.s32 @!p1 $0x1082;
	[sflag:s4] =	ssyncset.s32 $0xFFFFF086  }
0x25: {  	[simem:s6], [sflag:s4] =	dma.local [hbm:s3], $0xF7A  }
0x26: {  	[smem:$0x3F9F] =	sst s1;
	(tag) =	ssettag s2;
	_ =	strace s9  }
0x27: {  	s1 =	sld [smem:$0x3FAF]  }
0x28: {  	s2 =	sld [smem:$0x3FB0]  }
0x29: {  	s4 =	sld [smem:$0x3FB2]  }
0x2a: {  	p0 =	seq.s32 s5, $0x0;
	s5 =	sld [smem:$0x3FB3]  }
0x2b: {  	s6 =	sld [smem:$0x3FB4]  }
0x2c: {  	s7 =	sld [smem:$0x3FB5]  }
0x2d: {  	s3 =	simm.s32 $0x108;
	s8 =	sld [smem:$0x3FB6]  }
0x2e: {  	s3 =	simm.s32 @!p0 $0x1082;
	s9 =	sld [smem:$0x3FB7]  }
0x2f: {  	lr =	sadd.s32 s0, s3;
	s0 =	sld [smem:$0x3FAE]  }
0x30: {  	s3 =	sld [smem:$0x3FB1]  }
0x31: {  	[smem:$0x3FBA] =	sst s10  }
0x32: {  	s10 =	sld [smem:$0x3FB8];
	_ =	sdelay $0x3  }
0x33: {  	p0 =	seq.s32 s10, $0x1;
	s10 =	sld [smem:$0x3FBA];
	_ =	sdelay $0x3  }
0x34: {  	[smem:$0x3FBA] =	sst s10  }
0x35: {  	s10 =	sld [smem:$0x3FB9];
	_ =	sdelay $0x3  }
0x36: {  	p1 =	seq.s32 s10, $0x1;
	s10 =	sld [smem:$0x3FBA];
	_ =	sdelay $0x3  }
0x37: {  	[smem:$0x3FBA] =	sst s10  }
0x38: {  	s10 =	sld [smem:$0x3FBB]  }
0x39: {  	_ = 	snop;
	(pc) =	sbr.ind lr, $3  }
0x3a: {  	_ = 	snop  }
0x3b: {  	_ = 	snop  }
0x3c: {  	p2 =	seq.s32 s10, $0x1;
	s10 =	sld [smem:$0x3FBA]  }
0x3d: {  	_ =	shalt  }
0x3e: {  	_ =	shalt  }
0x3f: {  	_ =	shalt  }
0x40: {  	_ =	shalt  }
0x41: {  	_ =	shalt  }
0x42: {  	_ =	shalt  }
0x43: {  	_ =	shalt  }
0x44: {  	_ =	shalt  }
0x45: {  	_ =	shalt  }
0x46: {  	_ =	shalt  }
0x47: {  	_ =	shalt  }
0x48: {  	_ =	shalt  }
0x49: {  	_ =	shalt  }
0x4a: {  	_ =	shalt  }
0x4b: {  	_ =	shalt  }
0x4c: {  	_ =	shalt  }
0x4d: {  	_ =	shalt  }
0x4e: {  	_ =	shalt  }
0x4f: {  	_ =	shalt  }
0x50: {  	_ =	shalt  }
0x51: {  	_ =	shalt  }
0x52: {  	_ =	shalt  }
0x53: {  	_ =	shalt  }
0x54: {  	_ =	shalt  }
0x55: {  	_ =	shalt  }
0x56: {  	_ =	shalt  }
0x57: {  	_ =	shalt  }
0x58: {  	_ =	shalt  }
0x59: {  	_ =	shalt  }
0x5a: {  	_ =	shalt  }
0x5b: {  	_ =	shalt  }
0x5c: {  	_ =	shalt  }
0x5d: {  	_ =	shalt  }
0x5e: {  	_ =	shalt  }
0x5f: {  	_ =	shalt  }
0x60: {  	_ =	shalt  }
0x61: {  	_ =	shalt  }
0x62: {  	_ =	shalt  }
0x63: {  	_ =	shalt  }
0x64: {  	_ =	shalt  }
0x65: {  	_ =	shalt  }
0x66: {  	_ =	shalt  }
0x67: {  	_ =	shalt  }
0x68: {  	_ =	shalt  }
0x69: {  	_ =	shalt  }
0x6a: {  	_ =	shalt  }
0x6b: {  	_ =	shalt  }
0x6c: {  	_ =	shalt  }
0x6d: {  	_ =	shalt  }
0x6e: {  	_ =	shalt  }
0x6f: {  	_ =	shalt  }
0x70: {  	_ =	shalt  }
0x71: {  	_ =	shalt  }
0x72: {  	_ =	shalt  }
0x73: {  	_ =	shalt  }
0x74: {  	_ =	shalt  }
0x75: {  	_ =	shalt  }
0x76: {  	_ =	shalt  }
0x77: {  	_ =	shalt  }
0x78: {  	_ =	shalt  }
0x79: {  	_ =	shalt  }
0x7a: {  	_ =	shalt  }
0x7b: {  	_ =	shalt  }
0x7c: {  	_ =	shalt  }
0x7d: {  	_ =	shalt  }
0x7e: {  	_ =	shalt  }
0x7f: {  	_ =	shalt  }
0x80: {  	_ =	shalt  }
0x81: {  	_ =	shalt  }
0x82: {  	_ =	shalt  }
0x83: {  	_ =	shalt  }
0x84: {  	_ =	shalt  }
0x85: {  	_ =	shalt  }
0x86: {  	_ =	shalt  }
0x87: {  	_ =	shalt  }
.Lfunc_end0:
.L_simem_size_0:
called_computation_lowered:
.L_overlay_start_0:
0x88: {  	s2 =	sld [smem:$0x3FD9]  }
0x89: {  	s3 =	sld [smem:$0x3FFE];
	_ =	sdelay $0x1  }
0x8a: {  	s1 =	srdreg.scid  }
0x8b: {  	s0 =	sand.u32 $0x1, s1  }
0x8c: {  	s17 =	sshll.u32 s0, $0xA;
	s2 =	sadd.s32 s3, s2  }
0x8d: {  	s2 =	sadd.s32 s2, s17  }
0x8e: {  	[smem:$0x3FC6] =	sst s2  }
0x8f: {  	_ = 	snop  }
0x90: {  	s2 =	sld [smem:$0x3FC8]  }
0x91: {  	s18 =	sld [smem:$0x3FD0];
	(tm) =	ssettm $0x1  }
0x92: {  	s4 =	sld [smem:$0x3FFB];
	_ =	sdelay $0x3  }
0x93: {  	_ =	strace s4  }
0x94: {  	s4 =	sld [smem:$0x3FFC];
	_ =	sdelay $0x3  }
0x95: {  	_ =	strace s4  }
0x96: {  	s4 =	sld [smem:$0x3FFD];
	_ =	sdelay $0x3  }
0x97: {  	_ =	strace s4  }
0x98: {  	_ =	strace $0x8FFFFFFF  }
0x99: {  	s19 =	sld [smem:$0x3FDB];
	_ =	sdelay $0x1  }
0x9a: {  	s5 =	simm.s32 $_scs_section_size  }
0x9b: {  	s6 =	simm.s32 $_size__tile_overlayer_lowered;
	s7 =	simm.s32 $_tile_overlayer_lowered  }
0x9c: {  	s22 =	simm.s32 $0x1BFF;
	s21 =	sshll.u32 s7, $0x1;
	s4 =	sadd.s32 s5, s19  }
0x9d: {  	s8 =	simm.s32 $0x0;
	s20 =	sshll.u32 s6, $0x1;
	s6 =	sadd.s32 s21, s4  }
0x9e: {  	[timem:s8], [sflag:s22] =	dma.local [hbm:s6], s20  }
0x9f: {  	_ =	swait.ge [sflag:s22], s20  }
0xa0: {  	s5 =	ssub.s32 $0x0, s20;
	[sflag:s22] =	ssyncset.done $0x0  }
0xa1: {  	[sflag:s22] =	ssyncadd.s32 s5;
	_ =	sdelay $0x1  }
0xa2: {  	s23 =	simm.s32 $0x1B8B  }
0xa3: {  	_ =	swait.ge [sflag:s23], $0x1  }
0xa4: {  	[sflag:s23] =	ssyncset.done $0x0  }
0xa5: {  	s25 =	simm.s32 $0x1B8E;
	s24 =	sld [smem:$0x3FFE];
	[sflag:s23] =	ssyncadd.s32 $0xFFFFFFFF  }
0xa6: {  	s26 =	simm.s32 $execute0_lowered;
	[smem:$0x3FD2] =	sst s25  }
0xa7: {  	s6 =	sshll.u32 s26, $0x1;
	_ =	strace $0x80000046;
	[dreg:$0x1] =	wrdreg $0xFFFFFFFF  }
0xa8: {  	s28 =	simm.s32 $_size_execute0_lowered;
	s4 =	sadd.s32 s4, s6;
	[dreg:$0x0] =	wrdreg $0x0  }
0xa9: {  	s6 =	sshll.u32 s28, $0x1;
	[dreg:$0x2] =	wrdreg s4  }
0xaa: {  	[dreg:$0x3] =	wrdreg s6  }
0xab: {  	[dreg:$0x4] =	wrdreg $0xC0  }
0xac: {  	_ =	task [dreg:s8], $0x5FFFF  }
0xad: {  	[dreg:$0x1] =	wrdreg $0xFFFFFFFF  }
0xae: {  	[dreg:$0x0] =	wrdreg $0x60  }
0xaf: {  	[dreg:$0x2] =	wrdreg s24  }
0xb0: {  	[dreg:$0x3] =	wrdreg s2  }
0xb1: {  	[dreg:$0x4] =	wrdreg s18  }
0xb2: {  	[dreg:$0x5] =	wrdreg $0x9  }
0xb3: {  	_ =	task.clear_ibuf [dreg:s8], $0x6FFFF;
	_ =	strace $0x90000046  }
0xb4: {  	s29 =	simm.s32 $0x9;
	_ =	strace $0x80000048  }
0xb5: {  	_ =	swait.ge [sflag:s29], $0x1  }
0xb6: {  	[sflag:s29] =	ssyncadd.s32 $0xFFFFFFFF  }
0xb7: {  	_ =	strace $0x90000048  }
0xb8: {  	_ =	sfence  }
0xb9: {  	s30 =	sld [smem:$0x0];
	_ =	sdelay $0x2  }
0xba: {  	s31 =	sshll.u32 s1, $0xD;
	s1 =	sshrl.u32 s1, $0x2  }
0xbb: {  	s3 =	sand.u32 $0x4000, s31;
	s1 =	sadd.s32 s1, s30  }
0xbc: {  	s0 =	sor.u32 s3, s0;
	s1 =	sshll.u32 s1, $0x11  }
0xbd: {  	s0 =	sor.u32 s1, s0  }
0xbe: {  	s0 =	sadd.s32 $0x8F2B, s0  }
0xbf: {  	[sflag:s0] =	ssyncadd.remote.s32 $0x1  }
0xc0: {  	_ =	sfence.sel $0xFFFF  }
0xc1: {  	[dreg:$0x0] =	wrdreg $0xFFFFFFFF;
	(pc) =	sbr.abs _section_cstart, $3  }
0xc2: {  	[dreg:$0x1] =	wrdreg $0xFFFFFFFF  }
0xc3: {  	_ =	task.clear_ibuf [dreg:s8], $0x2FFFF;
	_ =	strace $0x9FFFFFFF  }
0xc4: {  	(tm) =	ssettm $0x7FFFFFFF  }
0xc5: {  	_ =	shalt  }
tec
execute0_lowered:
.L_overlay_start_1:
0x0: {  	(tag) =	ssettag $0x1  }
0x1: {  	s1 =	stileid.u32  }
0x2: {  	p0 =	sgt.u32 s1, $0x3  }
.Ltmp0:
0x3: {  	s5 =	rddreg [dreg:$0x0];
	(pc) =	sbr.rel @p0 .LBB2_4-.Ltmp0, $4  }
0x4: {  	s3 =	rddreg [dreg:$0x1]  }
0x5: {  	s8 =	rddreg [dreg:$0x2];
	s2 =	simm.s32 $0x0  }
0x6: {  	[smem:$0x7FF] =	sst s2  }
0x7: {  	s0 =	rddreg [dreg:$0x3];
	_ =	strace $0x80000047  }
0x8: {  	s4 =	srdreg.scid  }
0x9: {  	s30 =	sshll.u32 s1, $0x1;
	s6 =	sand.u32 $0x1, s4  }
0xa: {  	s7 =	sor.u32 s6, s30  }
0xb: {  	s9 =	sshll.u32 s7, $0x1  }
0xc: {  	s4 =	sadd.s32 s3, s9;
	s3 =	simm.s32 $0x2  }
0xd: {  	[tilespmem:s2], [sflag:$0x2] =	stream.linear.gather [hbm4b:s4+s2], $0x10, $0x38;
	[tilespmem:$0x100] =	vst v63  }
0xe: {  	_ =	swait.ge [sflag:s3], $0x10  }
0xf: {  	s7 =	sshll.u32 s7, $0x4;
	[sflag:s3] =	ssyncset.done $0x0  }
0x10: {  	v0 =	vmov s7;
	[sflag:s3] =	ssyncadd.s32 $0xFFFFFFF0  }
0x11: {  	v0 =	vmul.u32 $0x186A0, v0;
	v1 =	vld [tilespmem:$0x0]  }
0x12: {  	v2 =	vlaneseq.u32  }
0x13: {  	v2 =	vmul.u32 $0x186A0, v2;
	v0 =	vbroadcast v0, $0x0;
	_ =	sdelay $0x1  }
0x14: {  	v0 =	vadd.s32 v2, v0  }
0x15: {  	v1 =	vadd.s32 v1, v0  }
0x16: {  	s10 =	ssub.s32 $0x2, s6  }
0x17: {  	s11 =	sshrl.u32 s10, $0x1  }
0x18: {  	s5 =	sadd.s32 $0x187600, s5;
	s10 =	ssub.s32 s10, s11  }
0x19: {  	vm0 =	vmmov $0xffff;
	s6 =	simm.s32 $0x80;
	s7 =	simm.s32 $0x1;
	s31 =	smax.u32 s10, $0x1  }
0x1a: {  	[tilespmem:s6], [sflag:$0x1] =	stream.indirect_vreg.gather [hbm4b:s5+s2], $0x1, v1, vm0, $0xb8;
	[tilespmem:$0x100] =	vst v63  }
0x1b: {  	p0 =	sne.s32 s31, $0x1;
	_ =	swait.ge [sflag:s7], $0x10  }
.Ltmp1:
0x1c: {  	[sflag:s7] =	ssyncset.done $0x0;
	(pc) =	sbr.rel @!p0 .LBB2_3-.Ltmp1, $4  }
0x1d: {  	s8 =	sadd.s32 s8, s9;
	[sflag:s7] =	ssyncadd.s32 $0xFFFFFFF0  }
0x1e: {  	[hbm4b:s8+s2] =	stream.linear.scatter [tilespmem:s6], [sflag:$0x2], $0x10, $0x38;
	[tilespmem:$0x100] =	vst v63  }
0x1f: {  	_ =	swait.ge [sflag:s3], $0x10  }
0x20: {  	s9 =	sadd.s32 $0xFFFFFFFF, s31;
	[sflag:s3] =	ssyncset.done $0x0  }
.LBB2_2:
0x21: {  	p0 =	sne.s32 s9, $0x1;
	s9 =	sadd.s32 $0xFFFFFFFF, s9;
	[sflag:s3] =	ssyncadd.s32 $0xFFFFFFF0  }
0x22: {  	[tilespmem:s2], [sflag:$0x2] =	stream.linear.gather [hbm4b:s4+s2], $0x10, $0x38;
	[tilespmem:$0x100] =	vst v63  }
0x23: {  	_ =	swait.ge [sflag:s3], $0x10  }
0x24: {  	[sflag:s3] =	ssyncset.done $0x0  }
0x25: {  	[sflag:s3] =	ssyncadd.s32 $0xFFFFFFF0  }
0x26: {  	v1 =	vld [tilespmem:$0x0];
	_ =	sdelay $0x4  }
0x27: {  	v1 =	vadd.s32 v1, v0;
	_ =	sdelay $0x4  }
0x28: {  	[tilespmem:s6], [sflag:$0x1] =	stream.indirect_vreg.gather [hbm4b:s5+s2], $0x1, v1, vm0, $0xb8;
	[tilespmem:$0x100] =	vst v63  }
0x29: {  	_ =	swait.ge [sflag:s7], $0x10  }
.Ltmp2:
0x2a: {  	[sflag:s7] =	ssyncset.done $0x0;
	(pc) =	sbr.rel @p0 .LBB2_2-.Ltmp2, $4  }
0x2b: {  	[sflag:s7] =	ssyncadd.s32 $0xFFFFFFF0  }
0x2c: {  	[hbm4b:s8+s2] =	stream.linear.scatter [tilespmem:s6], [sflag:$0x2], $0x10, $0x38;
	[tilespmem:$0x100] =	vst v63  }
0x2d: {  	_ =	swait.ge [sflag:s3], $0x10  }
0x2e: {  	[sflag:s3] =	ssyncset.done $0x0  }
.LBB2_3:
0x2f: {  	[sflag:s3] =	ssyncadd.s32 $0xFFFFFFF0  }
.LBB2_4:
0x30: {  	_ =	sfence.sel $0x180000  }
0x31: {  	[bflag:$0x0] =	sbarrier.arrive $0xFFFF  }
0x32: {  	p0 =	sne.s32 s1, $0x0;
	_ =	strace $0x90000047  }
0x33: {  	s0 =	sadd.s32 @!p0 $0x100000, s0;
	[bflag:$0x2] =	sbarrier.arrive $0xFFFF  }
0x34: {  	[sflag:s0] =	ssyncadd.tile.s32 @!p0 $0x1;
	_ =	shalt  }
.Lfunc_end2:
_tile_overlayer_lowered:
.L_overlay_start_2:
0x35: {  	(tag) =	ssettag $0x2  }
0x36: {  	s0 =	rddreg [dreg:$0x0];
	s2 =	stileid.u32  }
0x37: {  	s1 =	rddreg [dreg:$0x1];
	p0 =	sne.s32 s2, $0x0  }
0x38: {  	s3 =	rddreg [dreg:$0x2];
	[bflag:$0x3] =	sbarrier.arrive $0xFFFF;
	s2 =	simm.s32 @!p0 $0x1C02  }
0x39: {  	[timem:s3], [sflag:s2] =	dma.local @!p0 [hbm:s0], s1  }
0x3a: {  	s0 =	simm.s32 @!p0 $0x2  }
0x3b: {  	_ =	swait.ge @!p0 [sflag:s0], s1  }
0x3c: {  	s1 =	ssub.s32 @!p0 $0x0, s1;
	[sflag:s0] =	ssyncset.done @!p0 $0x0  }
0x3d: {  	[sflag:s0] =	ssyncadd.s32 @!p0 s1  }
0x3e: {  	[bflag:$0x3] =	sbarrier.arrive $0xFFFF  }
0x3f: {  	_ =	shalt  }

</sc_bundles>
